<compile_context>
chip_gen: v7x
topology: tpu7x:2x2x1
jax: 0.10.2.dev20260603
libtpu: 0.0.44.dev20260713+nightly
codegen_flags: <defaults>
</compile_context>

<pallas_src>
import functools

import jax
import jax.numpy as jnp
from jax import lax
from jax.experimental import pallas as pl
from jax.experimental.pallas import tpu as pltpu
from jax.experimental.pallas import tpu_sc as plsc

VOCAB = 32768
HIDDEN = 256



def _make_sc_gather(B: int, D: int, n_chunks: int = 4):
    info = plsc.get_sparse_core_info()
    NC, NS = info.num_cores, info.num_subcores
    NW = NC * NS
    assert B % (8 * NW) == 0
    b_per_w = B // NW
    assert b_per_w % n_chunks == 0
    rows_c = b_per_w // n_chunks
    mesh = plsc.VectorSubcoreMesh(core_axis_name="c", subcore_axis_name="s")

    @functools.partial(
        pl.kernel,
        mesh=mesh,
        out_type=jax.ShapeDtypeStruct((B, D), jnp.float32),
        scratch_types=[
            pltpu.VMEM((b_per_w,), jnp.int32),
            pltpu.VMEM((n_chunks, rows_c, D), jnp.float32),
        ]
        + [pltpu.SemaphoreType.DMA] * (2 * n_chunks),
    )
    def gather_kernel(table_hbm, idx_hbm, out_hbm, idx_v, rows_v, *sems):
        gsem, wsem = sems[:n_chunks], sems[n_chunks:]
        wid = lax.axis_index("s") * NC + lax.axis_index("c")
        base = wid * b_per_w
        def gather(c):
            return pltpu.async_copy(
                table_hbm.at[idx_v.at[pl.ds(c * rows_c, rows_c)]],
                rows_v.at[c],
                gsem[c],
            )

        pltpu.sync_copy(idx_hbm.at[pl.ds(base, rows_c)], idx_v.at[pl.ds(0, rows_c)])
        gathers = [gather(0)]
        pltpu.sync_copy(
            idx_hbm.at[pl.ds(base + rows_c, b_per_w - rows_c)],
            idx_v.at[pl.ds(rows_c, b_per_w - rows_c)],
        )
        gathers += [gather(c) for c in range(1, n_chunks)]
        writes = []
        for c in range(n_chunks):
            gathers[c].wait()
            writes.append(
                pltpu.async_copy(
                    rows_v.at[c],
                    out_hbm.at[pl.ds(base + c * rows_c, rows_c)],
                    wsem[c],
                )
            )
        for w in writes:
            w.wait()

    return gather_kernel



def _mm_body(h_ref, w_ref, o_ref):
    h = h_ref[...].astype(jnp.bfloat16)
    w = w_ref[...].astype(jnp.bfloat16)
    o_ref[...] = lax.dot_general(
        h, w, (((1,), (1,)), ((), ())), preferred_element_type=jnp.float32
    )


def _projection(h, w, nt: int, vmem_limit_bytes: int | None = None):
    B, D = h.shape
    V = w.shape[0]
    grid = (pl.cdiv(V, nt),)
    params = {}
    if vmem_limit_bytes is not None:
        params["compiler_params"] = pltpu.CompilerParams(
            vmem_limit_bytes=vmem_limit_bytes
        )
    return pl.pallas_call(
        _mm_body,
        grid=grid,
        in_specs=[
            pl.BlockSpec((B, D), lambda i: (0, 0)),
            pl.BlockSpec((nt, D), lambda i: (i, 0)),
        ],
        out_specs=pl.BlockSpec((B, nt), lambda i: (0, i)),
        out_shape=jax.ShapeDtypeStruct((B, V), jnp.float32),
        **params,
    )(h, w)


def kernel(input_ids, embed, lm_head_w):
    Bt, S = input_ids.shape
    B = Bt * S
    ids = input_ids.reshape(B).astype(jnp.int32)
    h = _make_sc_gather(B, HIDDEN)(embed, ids)
    logits = _projection(h, lm_head_w, nt=1536, vmem_limit_bytes=100 * 1024 * 1024)
    return logits.reshape(Bt, S, VOCAB)

# --- scband reference (transcript-rebuilt; emitter-appended) ---
"""Pipeline reference for scband-tiny-causal-lm-26448408608830 (READ-ONLY COPY).

The authoritative reference and input builder live on the scoring server;
editing this copy changes nothing except your own understanding.
"""

import jax, jax.numpy as jnp
import numpy as np

VOCAB = 32768
HIDDEN = 256


def setup_inputs(seed: int = 0) -> dict:
    key = jax.random.key(seed)
    k1, k2, k3 = jax.random.split(key, 3)
    input_ids = jax.random.randint(k1, (2, 2048), 0, VOCAB, dtype=jnp.int64 if jax.config.jax_enable_x64 else jnp.int32)
    embed = jax.random.normal(k2, (VOCAB, HIDDEN), dtype=jnp.float32) * 0.02
    lm_head_w = jax.random.normal(k3, (VOCAB, HIDDEN), dtype=jnp.float32) * 0.02
    return {"input_ids": input_ids, "embed": embed, "lm_head_w": lm_head_w}


def reference(input_ids, embed, lm_head_w):
    # h = Embedding(input_ids): gather rows from the embedding table
    h = jnp.take(embed, input_ids, axis=0)  # [B, S, H]
    # logits = Linear(h) with weight [vocab, hidden], no bias -> h @ W^T
    logits = jnp.einsum('bsh,vh->bsv', h, lm_head_w)  # [B, S, V]
    return logits

if __name__ == "__main__":
    import jax
    _d = setup_inputs()
    print(jax.jit(kernel)(*tuple(_d.values())))

</pallas_src>

<mosaic_0001>
#map = affine_map<(d0, d1) -> (0, 0)>
#map1 = affine_map<(d0, d1) -> (0)>
module attributes {stable_mosaic.version = 14 : i64} {
  func.func @gather_kernel(%arg0: i32, %arg1: i32, %arg2: memref<32768x256xf32, #tpu.memory_space<hbm>>, %arg3: memref<4096xi32, #tpu.memory_space<hbm>>, %arg4: memref<4096x256xf32, #tpu.memory_space<hbm>>, %arg5: memref<128xi32, #tpu.memory_space<vmem>>, %arg6: memref<4x32x256xf32, #tpu.memory_space<vmem>>, %arg7: memref<!tpu.dma_semaphore, #tpu.memory_space<semaphore_mem>>, %arg8: memref<!tpu.dma_semaphore, #tpu.memory_space<semaphore_mem>>, %arg9: memref<!tpu.dma_semaphore, #tpu.memory_space<semaphore_mem>>, %arg10: memref<!tpu.dma_semaphore, #tpu.memory_space<semaphore_mem>>, %arg11: memref<!tpu.dma_semaphore, #tpu.memory_space<semaphore_mem>>, %arg12: memref<!tpu.dma_semaphore, #tpu.memory_space<semaphore_mem>>, %arg13: memref<!tpu.dma_semaphore, #tpu.memory_space<semaphore_mem>>, %arg14: memref<!tpu.dma_semaphore, #tpu.memory_space<semaphore_mem>>) attributes {dimension_semantics = [#tpu.dimension_semantics<core_parallel>, #tpu.dimension_semantics<subcore_parallel>], iteration_bounds = array<i64: 2, 16>, scalar_prefetch = 0 : i64, scratch_operands = 10 : i64, tpu.core_type = #tpu.core_type<sc_vector_subcore>, window_params = [{transform_indices = #map}, {transform_indices = #map1}, {transform_indices = #map}]} {
    %mul3A = arith.constant 2 : i32
    %mul3A_0 = arith.muli %arg1, %mul3A : i32
    %add3A = arith.addi %mul3A_0, %arg0 : i32
    %mul3A_1 = arith.constant 128 : i32
    %mul3A_2 = arith.muli %add3A, %mul3A_1 : i32
    "tpu.region"() ({
      %run_scoped3A = tpu.sem_alloc : memref<!tpu.dma_semaphore, #tpu.memory_space<semaphore_mem>>
      %dma_start3A_195 = arith.constant 0 : i32
      %dma_start3A_196 = tpu.memref_slice %arg5[%dma_start3A_195] : memref<128xi32, #tpu.memory_space<vmem>> -> memref<32xi32, #tpu.memory_space<vmem>>
      %dma_start3A_197 = tpu.memref_slice %arg3[%mul3A_2] : memref<4096xi32, #tpu.memory_space<hbm>> -> memref<32xi32, #tpu.memory_space<hbm>>
      %dma_start3A_198 = arith.constant 0 : i32
      %dma_start3A_199 = tpu.memref_slice %arg5[%dma_start3A_198] : memref<128xi32, #tpu.memory_space<vmem>> -> memref<32xi32, #tpu.memory_space<vmem>>
      %dma_start3A_200 = tpu.memref_slice %arg3[%mul3A_2] : memref<4096xi32, #tpu.memory_space<hbm>> -> memref<32xi32, #tpu.memory_space<hbm>>
      tpu.enqueue_dma source(%dma_start3A_200 : memref<32xi32, #tpu.memory_space<hbm>>) target(%dma_start3A_199 : memref<32xi32, #tpu.memory_space<vmem>>) target_semaphore(%run_scoped3A : memref<!tpu.dma_semaphore, #tpu.memory_space<semaphore_mem>>)
      %dma_wait3A_201 = arith.constant 0 : i32
      %dma_wait3A_202 = tpu.memref_slice %arg5[%dma_wait3A_201] : memref<128xi32, #tpu.memory_space<vmem>> -> memref<32xi32, #tpu.memory_space<vmem>>
      %dma_wait3A_203 = tpu.memref_slice %arg3[%mul3A_2] : memref<4096xi32, #tpu.memory_space<hbm>> -> memref<32xi32, #tpu.memory_space<hbm>>
      %dma_wait3A_204 = arith.constant 0 : i32
      %dma_wait3A_205 = tpu.memref_slice %arg5[%dma_wait3A_204] : memref<128xi32, #tpu.memory_space<vmem>> -> memref<32xi32, #tpu.memory_space<vmem>>
      %dma_wait3A_206 = tpu.memref_slice %arg3[%mul3A_2] : memref<4096xi32, #tpu.memory_space<hbm>> -> memref<32xi32, #tpu.memory_space<hbm>>
      tpu.wait_dma2 semaphore(%run_scoped3A : memref<!tpu.dma_semaphore, #tpu.memory_space<semaphore_mem>>) src(%dma_wait3A_206 : memref<32xi32, #tpu.memory_space<hbm>>) dst(%dma_wait3A_205 : memref<32xi32, #tpu.memory_space<vmem>>)
      tpu.yield
    }) : () -> ()
    %dma_start3A = arith.constant 0 : i32
    %dma_start3A_3 = arith.constant 0 : i32
    %dma_start3A_4 = arith.constant 0 : i32
    %dma_start3A_5 = tpu.memref_slice %arg6[%dma_start3A, %dma_start3A_3, %dma_start3A_4] : memref<4x32x256xf32, #tpu.memory_space<vmem>> -> memref<1x32x256xf32, #tpu.memory_space<vmem>>
    %dma_start3A_6 = tpu.memref_squeeze %dma_start3A_5 : memref<1x32x256xf32, #tpu.memory_space<vmem>> -> memref<32x256xf32, #tpu.memory_space<vmem>>
    %dma_start3A_7 = arith.constant 0 : i32
    %dma_start3A_8 = tpu.memref_slice %arg5[%dma_start3A_7] : memref<128xi32, #tpu.memory_space<vmem>> -> memref<32xi32, #tpu.memory_space<vmem>>
    %dma_start3A_9 = arith.constant 0 : i32
    %dma_start3A_10 = arith.constant 0 : i32
    %dma_start3A_11 = tpu.memref_slice %arg2[%dma_start3A_9, %dma_start3A_10] : memref<32768x256xf32, #tpu.memory_space<hbm>> -> memref<32768x256xf32, #tpu.memory_space<hbm>>
    tpu.enqueue_indirect_dma source(%dma_start3A_11 : memref<32768x256xf32, #tpu.memory_space<hbm>>) target(%dma_start3A_6 : memref<32x256xf32, #tpu.memory_space<vmem>>) offsets(%dma_start3A_8 : memref<32xi32, #tpu.memory_space<vmem>>) semaphore(%arg7 : memref<!tpu.dma_semaphore, #tpu.memory_space<semaphore_mem>>)
    %add3A_12 = arith.constant 32 : i32
    %add3A_13 = arith.addi %mul3A_2, %add3A_12 : i32
    "tpu.region"() ({
      %run_scoped3A = tpu.sem_alloc : memref<!tpu.dma_semaphore, #tpu.memory_space<semaphore_mem>>
      %dma_start3A_195 = arith.constant 32 : i32
      %dma_start3A_196 = tpu.memref_slice %arg5[%dma_start3A_195] : memref<128xi32, #tpu.memory_space<vmem>> -> memref<96xi32, #tpu.memory_space<vmem>>
      %dma_start3A_197 = tpu.memref_slice %arg3[%add3A_13] : memref<4096xi32, #tpu.memory_space<hbm>> -> memref<96xi32, #tpu.memory_space<hbm>>
      %dma_start3A_198 = arith.constant 32 : i32
      %dma_start3A_199 = tpu.memref_slice %arg5[%dma_start3A_198] : memref<128xi32, #tpu.memory_space<vmem>> -> memref<96xi32, #tpu.memory_space<vmem>>
      %dma_start3A_200 = tpu.memref_slice %arg3[%add3A_13] : memref<4096xi32, #tpu.memory_space<hbm>> -> memref<96xi32, #tpu.memory_space<hbm>>
      tpu.enqueue_dma source(%dma_start3A_200 : memref<96xi32, #tpu.memory_space<hbm>>) target(%dma_start3A_199 : memref<96xi32, #tpu.memory_space<vmem>>) target_semaphore(%run_scoped3A : memref<!tpu.dma_semaphore, #tpu.memory_space<semaphore_mem>>)
      %dma_wait3A_201 = arith.constant 32 : i32
      %dma_wait3A_202 = tpu.memref_slice %arg5[%dma_wait3A_201] : memref<128xi32, #tpu.memory_space<vmem>> -> memref<96xi32, #tpu.memory_space<vmem>>
      %dma_wait3A_203 = tpu.memref_slice %arg3[%add3A_13] : memref<4096xi32, #tpu.memory_space<hbm>> -> memref<96xi32, #tpu.memory_space<hbm>>
      %dma_wait3A_204 = arith.constant 32 : i32
      %dma_wait3A_205 = tpu.memref_slice %arg5[%dma_wait3A_204] : memref<128xi32, #tpu.memory_space<vmem>> -> memref<96xi32, #tpu.memory_space<vmem>>
      %dma_wait3A_206 = tpu.memref_slice %arg3[%add3A_13] : memref<4096xi32, #tpu.memory_space<hbm>> -> memref<96xi32, #tpu.memory_space<hbm>>
      tpu.wait_dma2 semaphore(%run_scoped3A : memref<!tpu.dma_semaphore, #tpu.memory_space<semaphore_mem>>) src(%dma_wait3A_206 : memref<96xi32, #tpu.memory_space<hbm>>) dst(%dma_wait3A_205 : memref<96xi32, #tpu.memory_space<vmem>>)
      tpu.yield
    }) : () -> ()
    %dma_start3A_14 = arith.constant 1 : i32
    %dma_start3A_15 = arith.constant 0 : i32
    %dma_start3A_16 = arith.constant 0 : i32
    %dma_start3A_17 = tpu.memref_slice %arg6[%dma_start3A_14, %dma_start3A_15, %dma_start3A_16] : memref<4x32x256xf32, #tpu.memory_space<vmem>> -> memref<1x32x256xf32, #tpu.memory_space<vmem>>
    %dma_start3A_18 = tpu.memref_squeeze %dma_start3A_17 : memref<1x32x256xf32, #tpu.memory_space<vmem>> -> memref<32x256xf32, #tpu.memory_space<vmem>>
    %dma_start3A_19 = arith.constant 32 : i32
    %dma_start3A_20 = tpu.memref_slice %arg5[%dma_start3A_19] : memref<128xi32, #tpu.memory_space<vmem>> -> memref<32xi32, #tpu.memory_space<vmem>>
    %dma_start3A_21 = arith.constant 0 : i32
    %dma_start3A_22 = arith.constant 0 : i32
    %dma_start3A_23 = tpu.memref_slice %arg2[%dma_start3A_21, %dma_start3A_22] : memref<32768x256xf32, #tpu.memory_space<hbm>> -> memref<32768x256xf32, #tpu.memory_space<hbm>>
    tpu.enqueue_indirect_dma source(%dma_start3A_23 : memref<32768x256xf32, #tpu.memory_space<hbm>>) target(%dma_start3A_18 : memref<32x256xf32, #tpu.memory_space<vmem>>) offsets(%dma_start3A_20 : memref<32xi32, #tpu.memory_space<vmem>>) semaphore(%arg8 : memref<!tpu.dma_semaphore, #tpu.memory_space<semaphore_mem>>)
    %dma_start3A_24 = arith.constant 2 : i32
    %dma_start3A_25 = arith.constant 0 : i32
    %dma_start3A_26 = arith.constant 0 : i32
    %dma_start3A_27 = tpu.memref_slice %arg6[%dma_start3A_24, %dma_start3A_25, %dma_start3A_26] : memref<4x32x256xf32, #tpu.memory_space<vmem>> -> memref<1x32x256xf32, #tpu.memory_space<vmem>>
    %dma_start3A_28 = tpu.memref_squeeze %dma_start3A_27 : memref<1x32x256xf32, #tpu.memory_space<vmem>> -> memref<32x256xf32, #tpu.memory_space<vmem>>
    %dma_start3A_29 = arith.constant 64 : i32
    %dma_start3A_30 = tpu.memref_slice %arg5[%dma_start3A_29] : memref<128xi32, #tpu.memory_space<vmem>> -> memref<32xi32, #tpu.memory_space<vmem>>
    %dma_start3A_31 = arith.constant 0 : i32
    %dma_start3A_32 = arith.constant 0 : i32
    %dma_start3A_33 = tpu.memref_slice %arg2[%dma_start3A_31, %dma_start3A_32] : memref<32768x256xf32, #tpu.memory_space<hbm>> -> memref<32768x256xf32, #tpu.memory_space<hbm>>
    tpu.enqueue_indirect_dma source(%dma_start3A_33 : memref<32768x256xf32, #tpu.memory_space<hbm>>) target(%dma_start3A_28 : memref<32x256xf32, #tpu.memory_space<vmem>>) offsets(%dma_start3A_30 : memref<32xi32, #tpu.memory_space<vmem>>) semaphore(%arg9 : memref<!tpu.dma_semaphore, #tpu.memory_space<semaphore_mem>>)
    %dma_start3A_34 = arith.constant 3 : i32
    %dma_start3A_35 = arith.constant 0 : i32
    %dma_start3A_36 = arith.constant 0 : i32
    %dma_start3A_37 = tpu.memref_slice %arg6[%dma_start3A_34, %dma_start3A_35, %dma_start3A_36] : memref<4x32x256xf32, #tpu.memory_space<vmem>> -> memref<1x32x256xf32, #tpu.memory_space<vmem>>
    %dma_start3A_38 = tpu.memref_squeeze %dma_start3A_37 : memref<1x32x256xf32, #tpu.memory_space<vmem>> -> memref<32x256xf32, #tpu.memory_space<vmem>>
    %dma_start3A_39 = arith.constant 96 : i32
    %dma_start3A_40 = tpu.memref_slice %arg5[%dma_start3A_39] : memref<128xi32, #tpu.memory_space<vmem>> -> memref<32xi32, #tpu.memory_space<vmem>>
    %dma_start3A_41 = arith.constant 0 : i32
    %dma_start3A_42 = arith.constant 0 : i32
    %dma_start3A_43 = tpu.memref_slice %arg2[%dma_start3A_41, %dma_start3A_42] : memref<32768x256xf32, #tpu.memory_space<hbm>> -> memref<32768x256xf32, #tpu.memory_space<hbm>>
    tpu.enqueue_indirect_dma source(%dma_start3A_43 : memref<32768x256xf32, #tpu.memory_space<hbm>>) target(%dma_start3A_38 : memref<32x256xf32, #tpu.memory_space<vmem>>) offsets(%dma_start3A_40 : memref<32xi32, #tpu.memory_space<vmem>>) semaphore(%arg10 : memref<!tpu.dma_semaphore, #tpu.memory_space<semaphore_mem>>)
    %dma_wait3A = arith.constant 0 : i32
    %dma_wait3A_44 = arith.constant 0 : i32
    %dma_wait3A_45 = arith.constant 0 : i32
    %dma_wait3A_46 = tpu.memref_slice %arg6[%dma_wait3A, %dma_wait3A_44, %dma_wait3A_45] : memref<4x32x256xf32, #tpu.memory_space<vmem>> -> memref<1x32x256xf32, #tpu.memory_space<vmem>>
    %dma_wait3A_47 = tpu.memref_squeeze %dma_wait3A_46 : memref<1x32x256xf32, #tpu.memory_space<vmem>> -> memref<32x256xf32, #tpu.memory_space<vmem>>
    %dma_wait3A_48 = arith.constant 0 : i32
    %dma_wait3A_49 = tpu.memref_slice %arg5[%dma_wait3A_48] : memref<128xi32, #tpu.memory_space<vmem>> -> memref<32xi32, #tpu.memory_space<vmem>>
    %dma_wait3A_50 = arith.constant 0 : i32
    %dma_wait3A_51 = arith.constant 0 : i32
    %dma_wait3A_52 = tpu.memref_slice %arg2[%dma_wait3A_50, %dma_wait3A_51] : memref<32768x256xf32, #tpu.memory_space<hbm>> -> memref<32768x256xf32, #tpu.memory_space<hbm>>
    tpu.wait_indirect_dma semaphore(%arg7 : memref<!tpu.dma_semaphore, #tpu.memory_space<semaphore_mem>>) src(%dma_wait3A_52 : memref<32768x256xf32, #tpu.memory_space<hbm>>) dst(%dma_wait3A_47 : memref<32x256xf32, #tpu.memory_space<vmem>>)
    %add3A_53 = arith.constant 0 : i32
    %add3A_54 = arith.addi %mul3A_2, %add3A_53 : i32
    %dma_start3A_55 = arith.constant 0 : i32
    %dma_start3A_56 = arith.constant 0 : i32
    %dma_start3A_57 = arith.constant 0 : i32
    %dma_start3A_58 = tpu.memref_slice %arg6[%dma_start3A_55, %dma_start3A_56, %dma_start3A_57] : memref<4x32x256xf32, #tpu.memory_space<vmem>> -> memref<1x32x256xf32, #tpu.memory_space<vmem>>
    %dma_start3A_59 = tpu.memref_squeeze %dma_start3A_58 : memref<1x32x256xf32, #tpu.memory_space<vmem>> -> memref<32x256xf32, #tpu.memory_space<vmem>>
    %dma_start3A_60 = arith.constant 0 : i32
    %dma_start3A_61 = tpu.memref_slice %arg4[%add3A_54, %dma_start3A_60] : memref<4096x256xf32, #tpu.memory_space<hbm>> -> memref<32x256xf32, #tpu.memory_space<hbm>>
    %dma_start3A_62 = arith.constant 0 : i32
    %dma_start3A_63 = tpu.memref_slice %arg4[%add3A_54, %dma_start3A_62] : memref<4096x256xf32, #tpu.memory_space<hbm>> -> memref<32x256xf32, #tpu.memory_space<hbm>>
    %dma_start3A_64 = arith.constant 0 : i32
    %dma_start3A_65 = arith.constant 0 : i32
    %dma_start3A_66 = tpu.memref_slice %arg6[%dma_start3A_55, %dma_start3A_64, %dma_start3A_65] : memref<4x32x256xf32, #tpu.memory_space<vmem>> -> memref<1x32x256xf32, #tpu.memory_space<vmem>>
    %dma_start3A_67 = tpu.memref_squeeze %dma_start3A_66 : memref<1x32x256xf32, #tpu.memory_space<vmem>> -> memref<32x256xf32, #tpu.memory_space<vmem>>
    tpu.enqueue_dma source(%dma_start3A_67 : memref<32x256xf32, #tpu.memory_space<vmem>>) target(%dma_start3A_63 : memref<32x256xf32, #tpu.memory_space<hbm>>) target_semaphore(%arg11 : memref<!tpu.dma_semaphore, #tpu.memory_space<semaphore_mem>>)
    %dma_wait3A_68 = arith.constant 1 : i32
    %dma_wait3A_69 = arith.constant 0 : i32
    %dma_wait3A_70 = arith.constant 0 : i32
    %dma_wait3A_71 = tpu.memref_slice %arg6[%dma_wait3A_68, %dma_wait3A_69, %dma_wait3A_70] : memref<4x32x256xf32, #tpu.memory_space<vmem>> -> memref<1x32x256xf32, #tpu.memory_space<vmem>>
    %dma_wait3A_72 = tpu.memref_squeeze %dma_wait3A_71 : memref<1x32x256xf32, #tpu.memory_space<vmem>> -> memref<32x256xf32, #tpu.memory_space<vmem>>
    %dma_wait3A_73 = arith.constant 32 : i32
    %dma_wait3A_74 = tpu.memref_slice %arg5[%dma_wait3A_73] : memref<128xi32, #tpu.memory_space<vmem>> -> memref<32xi32, #tpu.memory_space<vmem>>
    %dma_wait3A_75 = arith.constant 0 : i32
    %dma_wait3A_76 = arith.constant 0 : i32
    %dma_wait3A_77 = tpu.memref_slice %arg2[%dma_wait3A_75, %dma_wait3A_76] : memref<32768x256xf32, #tpu.memory_space<hbm>> -> memref<32768x256xf32, #tpu.memory_space<hbm>>
    tpu.wait_indirect_dma semaphore(%arg8 : memref<!tpu.dma_semaphore, #tpu.memory_space<semaphore_mem>>) src(%dma_wait3A_77 : memref<32768x256xf32, #tpu.memory_space<hbm>>) dst(%dma_wait3A_72 : memref<32x256xf32, #tpu.memory_space<vmem>>)
    %add3A_78 = arith.constant 32 : i32
    %add3A_79 = arith.addi %mul3A_2, %add3A_78 : i32
    %dma_start3A_80 = arith.constant 1 : i32
    %dma_start3A_81 = arith.constant 0 : i32
    %dma_start3A_82 = arith.constant 0 : i32
    %dma_start3A_83 = tpu.memref_slice %arg6[%dma_start3A_80, %dma_start3A_81, %dma_start3A_82] : memref<4x32x256xf32, #tpu.memory_space<vmem>> -> memref<1x32x256xf32, #tpu.memory_space<vmem>>
    %dma_start3A_84 = tpu.memref_squeeze %dma_start3A_83 : memref<1x32x256xf32, #tpu.memory_space<vmem>> -> memref<32x256xf32, #tpu.memory_space<vmem>>
    %dma_start3A_85 = arith.constant 0 : i32
    %dma_start3A_86 = tpu.memref_slice %arg4[%add3A_79, %dma_start3A_85] : memref<4096x256xf32, #tpu.memory_space<hbm>> -> memref<32x256xf32, #tpu.memory_space<hbm>>
    %dma_start3A_87 = arith.constant 0 : i32
    %dma_start3A_88 = tpu.memref_slice %arg4[%add3A_79, %dma_start3A_87] : memref<4096x256xf32, #tpu.memory_space<hbm>> -> memref<32x256xf32, #tpu.memory_space<hbm>>
    %dma_start3A_89 = arith.constant 0 : i32
    %dma_start3A_90 = arith.constant 0 : i32
    %dma_start3A_91 = tpu.memref_slice %arg6[%dma_start3A_80, %dma_start3A_89, %dma_start3A_90] : memref<4x32x256xf32, #tpu.memory_space<vmem>> -> memref<1x32x256xf32, #tpu.memory_space<vmem>>
    %dma_start3A_92 = tpu.memref_squeeze %dma_start3A_91 : memref<1x32x256xf32, #tpu.memory_space<vmem>> -> memref<32x256xf32, #tpu.memory_space<vmem>>
    tpu.enqueue_dma source(%dma_start3A_92 : memref<32x256xf32, #tpu.memory_space<vmem>>) target(%dma_start3A_88 : memref<32x256xf32, #tpu.memory_space<hbm>>) target_semaphore(%arg12 : memref<!tpu.dma_semaphore, #tpu.memory_space<semaphore_mem>>)
    %dma_wait3A_93 = arith.constant 2 : i32
    %dma_wait3A_94 = arith.constant 0 : i32
    %dma_wait3A_95 = arith.constant 0 : i32
    %dma_wait3A_96 = tpu.memref_slice %arg6[%dma_wait3A_93, %dma_wait3A_94, %dma_wait3A_95] : memref<4x32x256xf32, #tpu.memory_space<vmem>> -> memref<1x32x256xf32, #tpu.memory_space<vmem>>
    %dma_wait3A_97 = tpu.memref_squeeze %dma_wait3A_96 : memref<1x32x256xf32, #tpu.memory_space<vmem>> -> memref<32x256xf32, #tpu.memory_space<vmem>>
    %dma_wait3A_98 = arith.constant 64 : i32
    %dma_wait3A_99 = tpu.memref_slice %arg5[%dma_wait3A_98] : memref<128xi32, #tpu.memory_space<vmem>> -> memref<32xi32, #tpu.memory_space<vmem>>
    %dma_wait3A_100 = arith.constant 0 : i32
    %dma_wait3A_101 = arith.constant 0 : i32
    %dma_wait3A_102 = tpu.memref_slice %arg2[%dma_wait3A_100, %dma_wait3A_101] : memref<32768x256xf32, #tpu.memory_space<hbm>> -> memref<32768x256xf32, #tpu.memory_space<hbm>>
    tpu.wait_indirect_dma semaphore(%arg9 : memref<!tpu.dma_semaphore, #tpu.memory_space<semaphore_mem>>) src(%dma_wait3A_102 : memref<32768x256xf32, #tpu.memory_space<hbm>>) dst(%dma_wait3A_97 : memref<32x256xf32, #tpu.memory_space<vmem>>)
    %add3A_103 = arith.constant 64 : i32
    %add3A_104 = arith.addi %mul3A_2, %add3A_103 : i32
    %dma_start3A_105 = arith.constant 2 : i32
    %dma_start3A_106 = arith.constant 0 : i32
    %dma_start3A_107 = arith.constant 0 : i32
    %dma_start3A_108 = tpu.memref_slice %arg6[%dma_start3A_105, %dma_start3A_106, %dma_start3A_107] : memref<4x32x256xf32, #tpu.memory_space<vmem>> -> memref<1x32x256xf32, #tpu.memory_space<vmem>>
    %dma_start3A_109 = tpu.memref_squeeze %dma_start3A_108 : memref<1x32x256xf32, #tpu.memory_space<vmem>> -> memref<32x256xf32, #tpu.memory_space<vmem>>
    %dma_start3A_110 = arith.constant 0 : i32
    %dma_start3A_111 = tpu.memref_slice %arg4[%add3A_104, %dma_start3A_110] : memref<4096x256xf32, #tpu.memory_space<hbm>> -> memref<32x256xf32, #tpu.memory_space<hbm>>
    %dma_start3A_112 = arith.constant 0 : i32
    %dma_start3A_113 = tpu.memref_slice %arg4[%add3A_104, %dma_start3A_112] : memref<4096x256xf32, #tpu.memory_space<hbm>> -> memref<32x256xf32, #tpu.memory_space<hbm>>
    %dma_start3A_114 = arith.constant 0 : i32
    %dma_start3A_115 = arith.constant 0 : i32
    %dma_start3A_116 = tpu.memref_slice %arg6[%dma_start3A_105, %dma_start3A_114, %dma_start3A_115] : memref<4x32x256xf32, #tpu.memory_space<vmem>> -> memref<1x32x256xf32, #tpu.memory_space<vmem>>
    %dma_start3A_117 = tpu.memref_squeeze %dma_start3A_116 : memref<1x32x256xf32, #tpu.memory_space<vmem>> -> memref<32x256xf32, #tpu.memory_space<vmem>>
    tpu.enqueue_dma source(%dma_start3A_117 : memref<32x256xf32, #tpu.memory_space<vmem>>) target(%dma_start3A_113 : memref<32x256xf32, #tpu.memory_space<hbm>>) target_semaphore(%arg13 : memref<!tpu.dma_semaphore, #tpu.memory_space<semaphore_mem>>)
    %dma_wait3A_118 = arith.constant 3 : i32
    %dma_wait3A_119 = arith.constant 0 : i32
    %dma_wait3A_120 = arith.constant 0 : i32
    %dma_wait3A_121 = tpu.memref_slice %arg6[%dma_wait3A_118, %dma_wait3A_119, %dma_wait3A_120] : memref<4x32x256xf32, #tpu.memory_space<vmem>> -> memref<1x32x256xf32, #tpu.memory_space<vmem>>
    %dma_wait3A_122 = tpu.memref_squeeze %dma_wait3A_121 : memref<1x32x256xf32, #tpu.memory_space<vmem>> -> memref<32x256xf32, #tpu.memory_space<vmem>>
    %dma_wait3A_123 = arith.constant 96 : i32
    %dma_wait3A_124 = tpu.memref_slice %arg5[%dma_wait3A_123] : memref<128xi32, #tpu.memory_space<vmem>> -> memref<32xi32, #tpu.memory_space<vmem>>
    %dma_wait3A_125 = arith.constant 0 : i32
    %dma_wait3A_126 = arith.constant 0 : i32
    %dma_wait3A_127 = tpu.memref_slice %arg2[%dma_wait3A_125, %dma_wait3A_126] : memref<32768x256xf32, #tpu.memory_space<hbm>> -> memref<32768x256xf32, #tpu.memory_space<hbm>>
    tpu.wait_indirect_dma semaphore(%arg10 : memref<!tpu.dma_semaphore, #tpu.memory_space<semaphore_mem>>) src(%dma_wait3A_127 : memref<32768x256xf32, #tpu.memory_space<hbm>>) dst(%dma_wait3A_122 : memref<32x256xf32, #tpu.memory_space<vmem>>)
    %add3A_128 = arith.constant 96 : i32
    %add3A_129 = arith.addi %mul3A_2, %add3A_128 : i32
    %dma_start3A_130 = arith.constant 3 : i32
    %dma_start3A_131 = arith.constant 0 : i32
    %dma_start3A_132 = arith.constant 0 : i32
    %dma_start3A_133 = tpu.memref_slice %arg6[%dma_start3A_130, %dma_start3A_131, %dma_start3A_132] : memref<4x32x256xf32, #tpu.memory_space<vmem>> -> memref<1x32x256xf32, #tpu.memory_space<vmem>>
    %dma_start3A_134 = tpu.memref_squeeze %dma_start3A_133 : memref<1x32x256xf32, #tpu.memory_space<vmem>> -> memref<32x256xf32, #tpu.memory_space<vmem>>
    %dma_start3A_135 = arith.constant 0 : i32
    %dma_start3A_136 = tpu.memref_slice %arg4[%add3A_129, %dma_start3A_135] : memref<4096x256xf32, #tpu.memory_space<hbm>> -> memref<32x256xf32, #tpu.memory_space<hbm>>
    %dma_start3A_137 = arith.constant 0 : i32
    %dma_start3A_138 = tpu.memref_slice %arg4[%add3A_129, %dma_start3A_137] : memref<4096x256xf32, #tpu.memory_space<hbm>> -> memref<32x256xf32, #tpu.memory_space<hbm>>
    %dma_start3A_139 = arith.constant 0 : i32
    %dma_start3A_140 = arith.constant 0 : i32
    %dma_start3A_141 = tpu.memref_slice %arg6[%dma_start3A_130, %dma_start3A_139, %dma_start3A_140] : memref<4x32x256xf32, #tpu.memory_space<vmem>> -> memref<1x32x256xf32, #tpu.memory_space<vmem>>
    %dma_start3A_142 = tpu.memref_squeeze %dma_start3A_141 : memref<1x32x256xf32, #tpu.memory_space<vmem>> -> memref<32x256xf32, #tpu.memory_space<vmem>>
    tpu.enqueue_dma source(%dma_start3A_142 : memref<32x256xf32, #tpu.memory_space<vmem>>) target(%dma_start3A_138 : memref<32x256xf32, #tpu.memory_space<hbm>>) target_semaphore(%arg14 : memref<!tpu.dma_semaphore, #tpu.memory_space<semaphore_mem>>)
    %dma_wait3A_143 = arith.constant 0 : i32
    %dma_wait3A_144 = arith.constant 0 : i32
    %dma_wait3A_145 = arith.constant 0 : i32
    %dma_wait3A_146 = tpu.memref_slice %arg6[%dma_wait3A_143, %dma_wait3A_144, %dma_wait3A_145] : memref<4x32x256xf32, #tpu.memory_space<vmem>> -> memref<1x32x256xf32, #tpu.memory_space<vmem>>
    %dma_wait3A_147 = tpu.memref_squeeze %dma_wait3A_146 : memref<1x32x256xf32, #tpu.memory_space<vmem>> -> memref<32x256xf32, #tpu.memory_space<vmem>>
    %dma_wait3A_148 = arith.constant 0 : i32
    %dma_wait3A_149 = tpu.memref_slice %arg4[%add3A_54, %dma_wait3A_148] : memref<4096x256xf32, #tpu.memory_space<hbm>> -> memref<32x256xf32, #tpu.memory_space<hbm>>
    %dma_wait3A_150 = arith.constant 0 : i32
    %dma_wait3A_151 = tpu.memref_slice %arg4[%add3A_54, %dma_wait3A_150] : memref<4096x256xf32, #tpu.memory_space<hbm>> -> memref<32x256xf32, #tpu.memory_space<hbm>>
    %dma_wait3A_152 = arith.constant 0 : i32
    %dma_wait3A_153 = arith.constant 0 : i32
    %dma_wait3A_154 = tpu.memref_slice %arg6[%dma_wait3A_143, %dma_wait3A_152, %dma_wait3A_153] : memref<4x32x256xf32, #tpu.memory_space<vmem>> -> memref<1x32x256xf32, #tpu.memory_space<vmem>>
    %dma_wait3A_155 = tpu.memref_squeeze %dma_wait3A_154 : memref<1x32x256xf32, #tpu.memory_space<vmem>> -> memref<32x256xf32, #tpu.memory_space<vmem>>
    tpu.wait_dma2 semaphore(%arg11 : memref<!tpu.dma_semaphore, #tpu.memory_space<semaphore_mem>>) src(%dma_wait3A_155 : memref<32x256xf32, #tpu.memory_space<vmem>>) dst(%dma_wait3A_151 : memref<32x256xf32, #tpu.memory_space<hbm>>)
    %dma_wait3A_156 = arith.constant 1 : i32
    %dma_wait3A_157 = arith.constant 0 : i32
    %dma_wait3A_158 = arith.constant 0 : i32
    %dma_wait3A_159 = tpu.memref_slice %arg6[%dma_wait3A_156, %dma_wait3A_157, %dma_wait3A_158] : memref<4x32x256xf32, #tpu.memory_space<vmem>> -> memref<1x32x256xf32, #tpu.memory_space<vmem>>
    %dma_wait3A_160 = tpu.memref_squeeze %dma_wait3A_159 : memref<1x32x256xf32, #tpu.memory_space<vmem>> -> memref<32x256xf32, #tpu.memory_space<vmem>>
    %dma_wait3A_161 = arith.constant 0 : i32
    %dma_wait3A_162 = tpu.memref_slice %arg4[%add3A_79, %dma_wait3A_161] : memref<4096x256xf32, #tpu.memory_space<hbm>> -> memref<32x256xf32, #tpu.memory_space<hbm>>
    %dma_wait3A_163 = arith.constant 0 : i32
    %dma_wait3A_164 = tpu.memref_slice %arg4[%add3A_79, %dma_wait3A_163] : memref<4096x256xf32, #tpu.memory_space<hbm>> -> memref<32x256xf32, #tpu.memory_space<hbm>>
    %dma_wait3A_165 = arith.constant 0 : i32
    %dma_wait3A_166 = arith.constant 0 : i32
    %dma_wait3A_167 = tpu.memref_slice %arg6[%dma_wait3A_156, %dma_wait3A_165, %dma_wait3A_166] : memref<4x32x256xf32, #tpu.memory_space<vmem>> -> memref<1x32x256xf32, #tpu.memory_space<vmem>>
    %dma_wait3A_168 = tpu.memref_squeeze %dma_wait3A_167 : memref<1x32x256xf32, #tpu.memory_space<vmem>> -> memref<32x256xf32, #tpu.memory_space<vmem>>
    tpu.wait_dma2 semaphore(%arg12 : memref<!tpu.dma_semaphore, #tpu.memory_space<semaphore_mem>>) src(%dma_wait3A_168 : memref<32x256xf32, #tpu.memory_space<vmem>>) dst(%dma_wait3A_164 : memref<32x256xf32, #tpu.memory_space<hbm>>)
    %dma_wait3A_169 = arith.constant 2 : i32
    %dma_wait3A_170 = arith.constant 0 : i32
    %dma_wait3A_171 = arith.constant 0 : i32
    %dma_wait3A_172 = tpu.memref_slice %arg6[%dma_wait3A_169, %dma_wait3A_170, %dma_wait3A_171] : memref<4x32x256xf32, #tpu.memory_space<vmem>> -> memref<1x32x256xf32, #tpu.memory_space<vmem>>
    %dma_wait3A_173 = tpu.memref_squeeze %dma_wait3A_172 : memref<1x32x256xf32, #tpu.memory_space<vmem>> -> memref<32x256xf32, #tpu.memory_space<vmem>>
    %dma_wait3A_174 = arith.constant 0 : i32
    %dma_wait3A_175 = tpu.memref_slice %arg4[%add3A_104, %dma_wait3A_174] : memref<4096x256xf32, #tpu.memory_space<hbm>> -> memref<32x256xf32, #tpu.memory_space<hbm>>
    %dma_wait3A_176 = arith.constant 0 : i32
    %dma_wait3A_177 = tpu.memref_slice %arg4[%add3A_104, %dma_wait3A_176] : memref<4096x256xf32, #tpu.memory_space<hbm>> -> memref<32x256xf32, #tpu.memory_space<hbm>>
    %dma_wait3A_178 = arith.constant 0 : i32
    %dma_wait3A_179 = arith.constant 0 : i32
    %dma_wait3A_180 = tpu.memref_slice %arg6[%dma_wait3A_169, %dma_wait3A_178, %dma_wait3A_179] : memref<4x32x256xf32, #tpu.memory_space<vmem>> -> memref<1x32x256xf32, #tpu.memory_space<vmem>>
    %dma_wait3A_181 = tpu.memref_squeeze %dma_wait3A_180 : memref<1x32x256xf32, #tpu.memory_space<vmem>> -> memref<32x256xf32, #tpu.memory_space<vmem>>
    tpu.wait_dma2 semaphore(%arg13 : memref<!tpu.dma_semaphore, #tpu.memory_space<semaphore_mem>>) src(%dma_wait3A_181 : memref<32x256xf32, #tpu.memory_space<vmem>>) dst(%dma_wait3A_177 : memref<32x256xf32, #tpu.memory_space<hbm>>)
    %dma_wait3A_182 = arith.constant 3 : i32
    %dma_wait3A_183 = arith.constant 0 : i32
    %dma_wait3A_184 = arith.constant 0 : i32
    %dma_wait3A_185 = tpu.memref_slice %arg6[%dma_wait3A_182, %dma_wait3A_183, %dma_wait3A_184] : memref<4x32x256xf32, #tpu.memory_space<vmem>> -> memref<1x32x256xf32, #tpu.memory_space<vmem>>
    %dma_wait3A_186 = tpu.memref_squeeze %dma_wait3A_185 : memref<1x32x256xf32, #tpu.memory_space<vmem>> -> memref<32x256xf32, #tpu.memory_space<vmem>>
    %dma_wait3A_187 = arith.constant 0 : i32
    %dma_wait3A_188 = tpu.memref_slice %arg4[%add3A_129, %dma_wait3A_187] : memref<4096x256xf32, #tpu.memory_space<hbm>> -> memref<32x256xf32, #tpu.memory_space<hbm>>
    %dma_wait3A_189 = arith.constant 0 : i32
    %dma_wait3A_190 = tpu.memref_slice %arg4[%add3A_129, %dma_wait3A_189] : memref<4096x256xf32, #tpu.memory_space<hbm>> -> memref<32x256xf32, #tpu.memory_space<hbm>>
    %dma_wait3A_191 = arith.constant 0 : i32
    %dma_wait3A_192 = arith.constant 0 : i32
    %dma_wait3A_193 = tpu.memref_slice %arg6[%dma_wait3A_182, %dma_wait3A_191, %dma_wait3A_192] : memref<4x32x256xf32, #tpu.memory_space<vmem>> -> memref<1x32x256xf32, #tpu.memory_space<vmem>>
    %dma_wait3A_194 = tpu.memref_squeeze %dma_wait3A_193 : memref<1x32x256xf32, #tpu.memory_space<vmem>> -> memref<32x256xf32, #tpu.memory_space<vmem>>
    tpu.wait_dma2 semaphore(%arg14 : memref<!tpu.dma_semaphore, #tpu.memory_space<semaphore_mem>>) src(%dma_wait3A_194 : memref<32x256xf32, #tpu.memory_space<vmem>>) dst(%dma_wait3A_190 : memref<32x256xf32, #tpu.memory_space<hbm>>)
    return
  }
}

module attributes {stable_mosaic.version = 14 : i64} {
  func.func @_mm_body(%arg0: i32, %arg1: memref<4096x256xf32, #tpu.memory_space<vmem>>, %arg2: memref<1536x256xf32, #tpu.memory_space<vmem>>, %arg3: memref<4096x1536xf32, #tpu.memory_space<vmem>>) attributes {dimension_semantics = [#tpu.dimension_semantics<arbitrary>], iteration_bounds = array<i64: 22>, scalar_prefetch = 0 : i64, scratch_operands = 0 : i64, tpu.core_type = #tpu.core_type<tc>, window_params = [{pipeline_mode = #tpu.pipeline_mode<synchronous>, transform_indices = @transform_0, window_bounds = array<i64: 4096, 256>}, {transform_indices = @transform_1, window_bounds = array<i64: 1536, 256>}, {transform_indices = @transform_2, window_bounds = array<i64: 4096, 1536>}]} {
    %get3A = arith.constant 0 : index
    %get3A_0 = arith.constant 0 : index
    %get3A_1 = vector.load %arg1[%get3A, %get3A_0] : memref<4096x256xf32, #tpu.memory_space<vmem>>, vector<4096x256xf32>
    %convert_element_type3A = arith.truncf %get3A_1 : vector<4096x256xf32> to vector<4096x256xbf16>
    %get3A_2 = arith.constant 0 : index
    %get3A_3 = arith.constant 0 : index
    %get3A_4 = vector.load %arg2[%get3A_2, %get3A_3] : memref<1536x256xf32, #tpu.memory_space<vmem>>, vector<1536x256xf32>
    %convert_element_type3A_5 = arith.truncf %get3A_4 : vector<1536x256xf32> to vector<1536x256xbf16>
    %dot_general3A = arith.constant dense<0.000000e+00> : vector<4096x1536xf32>
    %dot_general3A_6 = tpu.matmul %convert_element_type3A, %convert_element_type3A_5, %dot_general3A {dimension_numbers = #tpu.dot_dimension_numbers<[1], [1], [0], [0], [0, 0, 1, 0], [], []>, transpose_lhs_hint = false} : vector<4096x256xbf16>, vector<1536x256xbf16>, vector<4096x1536xf32> -> vector<4096x1536xf32>
    %swap3A = arith.constant 0 : index
    %swap3A_7 = arith.constant 0 : index
    %swap3A_8 = vector.load %arg3[%swap3A, %swap3A_7] : memref<4096x1536xf32, #tpu.memory_space<vmem>>, vector<4096x1536xf32>
    tpu.vector_store %arg3[%swap3A, %swap3A_7], %dot_general3A_6 {strides = array<i32>} : memref<4096x1536xf32, #tpu.memory_space<vmem>>, vector<4096x1536xf32>,
    return
  }
  func.func @transform_0(%arg0: i32) -> (i32, i32) {
    %c0_i32 = arith.constant 0 : i32
    %c0_i32_0 = arith.constant 0 : i32
    %c0_i32_1 = arith.constant 0 : i32
    return %c0_i32, %c0_i32_0 : i32, i32
  }
  func.func @transform_1(%arg0: i32) -> (i32, i32) {
    %c0_i32 = arith.constant 0 : i32
    %c0_i32_0 = arith.constant 0 : i32
    return %arg0, %c0_i32 : i32, i32
  }
  func.func @transform_2(%arg0: i32) -> (i32, i32) {
    %c0_i32 = arith.constant 0 : i32
    %c0_i32_0 = arith.constant 0 : i32
    return %c0_i32, %arg0 : i32, i32
  }
}

</mosaic_0001>

<sc_bundles>
// kernel: kernel.4.cloned.1.call-start
scs
__scs_entry_jumppad:
0x0: {  	(pc) =	sbr.rel $0x88, $3  }
0x1: {  	(tag) =	ssettag $0x0;
	lr =	simm.s32 $0x1  }
0x2: {  	[smem:$0x3F9E] =	sst lr;
	_ =	strace $0xD0000000  }
0x3: {  	_ = 	snop  }
0x4: {  	_ = 	snop  }
0x5: {  	_ = 	snop  }
0x6: {  	_ = 	snop  }
0x7: {  	_ = 	snop  }
__scs_overlays_trampoline_lowered:
0x8: {  	[smem:$0x3FAD] =	sst s0  }
0x9: {  	[smem:$0x3FAE] =	sst s1  }
0xa: {  	[smem:$0x3FAF] =	sst s2  }
0xb: {  	[smem:$0x3FB0] =	sst s3  }
0xc: {  	[smem:$0x3FB1] =	sst s4  }
0xd: {  	[smem:$0x3FB2] =	sst s5  }
0xe: {  	[smem:$0x3FB3] =	sst s6  }
0xf: {  	[smem:$0x3FB4] =	sst s7  }
0x10: {  	[smem:$0x3FB5] =	sst s8  }
0x11: {  	[smem:$0x3FB6] =	sst s9;
	s0 =	simm.s32 @!p0 $0x0  }
0x12: {  	s1 =	sld [smem:$0x3F9C];
	s0 =	simm.s32 @p0 $0x1  }
0x13: {  	[smem:$0x3FB7] =	sst s0;
	s0 =	simm.s32 @!p1 $0x0  }
0x14: {  	s2 =	sld [smem:$0x3F9B];
	s0 =	simm.s32 @p1 $0x1  }
0x15: {  	[smem:$0x3FB8] =	sst s0;
	s0 =	simm.s32 @!p2 $0x0  }
0x16: {  	s3 =	sld [smem:$0x3FDB];
	s0 =	simm.s32 @p2 $0x1  }
0x17: {  	s4 =	simm.s32 $0x1BF5;
	[smem:$0x3FBA] =	sst s0  }
0x18: {  	s0 =	sld [smem:$0x3F9D];
	_ =	swait.ge [sflag:s4], $0x0  }
0x19: {  	s7 =	sld [smem:$0x3F9E]  }
0x1a: {  	s8 =	sadd.s32 $0xFFFFE003, lr  }
0x1b: {  	s9 =	sadd.s32 $0xFFFFFEF7, lr;
	s5 =	simm.s32 $0xFFFFFFFF;
	p2 =	slt.u32 s8, $0xFFFFF086  }
0x1c: {  	p1 =	slt.u32 s9, $0xF7A;
	s5 =	simm.s32 @!p2 $0x0  }
0x1d: {  	s5 =	simm.s32 @p1 $0x1;
	p0 =	seq.s32 s7, s2  }
0x1e: {  	s7 =	smul.u32 @!p0 $0xF7A, s2;
	p2 =	seq.s32 @!p0 s5, $0x0  }
0x1f: {  	s9 =	smul.u32 $0xF7A, s1;
	s8 =	simm.s32 @!p0 $0x1BF5;
	p2 =	por !p2, p0  }
0x20: {  	[sflag:s8] =	ssyncset.s32 @!p0 $0xFFFFF086;
	s6 =	sadd.s32 @!p0 s3, s7;
	s7 =	simm.s32 @!p0 $0x108  }
0x21: {  	s3 =	sadd.s32 s3, s9;
	s6 =	sadd.s32 @!p0 $0x88, s6;
	s7 =	simm.s32 @p2 $0x1082  }
0x22: {  	[simem:s7], [sflag:s8] =	dma.local @!p0 [hbm:s6], $0xF7A  }
0x23: {  	s9 =	sor.u32 $0xD0000000, s2;
	s6 =	simm.s32 $0x108;
	_ =	swait.ge @!p0 [sflag:s8], $0x0  }
0x24: {  	s3 =	sadd.s32 $0x88, s3;
	s6 =	simm.s32 @!p1 $0x1082;
	[sflag:s4] =	ssyncset.s32 $0xFFFFF086  }
0x25: {  	[simem:s6], [sflag:s4] =	dma.local [hbm:s3], $0xF7A  }
0x26: {  	[smem:$0x3F9E] =	sst s1;
	(tag) =	ssettag s2;
	_ =	strace s9  }
0x27: {  	s1 =	sld [smem:$0x3FAE]  }
0x28: {  	s2 =	sld [smem:$0x3FAF]  }
0x29: {  	s4 =	sld [smem:$0x3FB1]  }
0x2a: {  	p0 =	seq.s32 s5, $0x0;
	s5 =	sld [smem:$0x3FB2]  }
0x2b: {  	s6 =	sld [smem:$0x3FB3]  }
0x2c: {  	s7 =	sld [smem:$0x3FB4]  }
0x2d: {  	s3 =	simm.s32 $0x108;
	s8 =	sld [smem:$0x3FB5]  }
0x2e: {  	s3 =	simm.s32 @!p0 $0x1082;
	s9 =	sld [smem:$0x3FB6]  }
0x2f: {  	lr =	sadd.s32 s0, s3;
	s0 =	sld [smem:$0x3FAD]  }
0x30: {  	s3 =	sld [smem:$0x3FB0]  }
0x31: {  	[smem:$0x3FB9] =	sst s10  }
0x32: {  	s10 =	sld [smem:$0x3FB7];
	_ =	sdelay $0x3  }
0x33: {  	p0 =	seq.s32 s10, $0x1;
	s10 =	sld [smem:$0x3FB9];
	_ =	sdelay $0x3  }
0x34: {  	[smem:$0x3FB9] =	sst s10  }
0x35: {  	s10 =	sld [smem:$0x3FB8];
	_ =	sdelay $0x3  }
0x36: {  	p1 =	seq.s32 s10, $0x1;
	s10 =	sld [smem:$0x3FB9];
	_ =	sdelay $0x3  }
0x37: {  	[smem:$0x3FB9] =	sst s10  }
0x38: {  	s10 =	sld [smem:$0x3FBA]  }
0x39: {  	_ = 	snop;
	(pc) =	sbr.ind lr, $3  }
0x3a: {  	_ = 	snop  }
0x3b: {  	_ = 	snop  }
0x3c: {  	p2 =	seq.s32 s10, $0x1;
	s10 =	sld [smem:$0x3FB9]  }
0x3d: {  	_ =	shalt  }
0x3e: {  	_ =	shalt  }
0x3f: {  	_ =	shalt  }
0x40: {  	_ =	shalt  }
0x41: {  	_ =	shalt  }
0x42: {  	_ =	shalt  }
0x43: {  	_ =	shalt  }
0x44: {  	_ =	shalt  }
0x45: {  	_ =	shalt  }
0x46: {  	_ =	shalt  }
0x47: {  	_ =	shalt  }
0x48: {  	_ =	shalt  }
0x49: {  	_ =	shalt  }
0x4a: {  	_ =	shalt  }
0x4b: {  	_ =	shalt  }
0x4c: {  	_ =	shalt  }
0x4d: {  	_ =	shalt  }
0x4e: {  	_ =	shalt  }
0x4f: {  	_ =	shalt  }
0x50: {  	_ =	shalt  }
0x51: {  	_ =	shalt  }
0x52: {  	_ =	shalt  }
0x53: {  	_ =	shalt  }
0x54: {  	_ =	shalt  }
0x55: {  	_ =	shalt  }
0x56: {  	_ =	shalt  }
0x57: {  	_ =	shalt  }
0x58: {  	_ =	shalt  }
0x59: {  	_ =	shalt  }
0x5a: {  	_ =	shalt  }
0x5b: {  	_ =	shalt  }
0x5c: {  	_ =	shalt  }
0x5d: {  	_ =	shalt  }
0x5e: {  	_ =	shalt  }
0x5f: {  	_ =	shalt  }
0x60: {  	_ =	shalt  }
0x61: {  	_ =	shalt  }
0x62: {  	_ =	shalt  }
0x63: {  	_ =	shalt  }
0x64: {  	_ =	shalt  }
0x65: {  	_ =	shalt  }
0x66: {  	_ =	shalt  }
0x67: {  	_ =	shalt  }
0x68: {  	_ =	shalt  }
0x69: {  	_ =	shalt  }
0x6a: {  	_ =	shalt  }
0x6b: {  	_ =	shalt  }
0x6c: {  	_ =	shalt  }
0x6d: {  	_ =	shalt  }
0x6e: {  	_ =	shalt  }
0x6f: {  	_ =	shalt  }
0x70: {  	_ =	shalt  }
0x71: {  	_ =	shalt  }
0x72: {  	_ =	shalt  }
0x73: {  	_ =	shalt  }
0x74: {  	_ =	shalt  }
0x75: {  	_ =	shalt  }
0x76: {  	_ =	shalt  }
0x77: {  	_ =	shalt  }
0x78: {  	_ =	shalt  }
0x79: {  	_ =	shalt  }
0x7a: {  	_ =	shalt  }
0x7b: {  	_ =	shalt  }
0x7c: {  	_ =	shalt  }
0x7d: {  	_ =	shalt  }
0x7e: {  	_ =	shalt  }
0x7f: {  	_ =	shalt  }
0x80: {  	_ =	shalt  }
0x81: {  	_ =	shalt  }
0x82: {  	_ =	shalt  }
0x83: {  	_ =	shalt  }
0x84: {  	_ =	shalt  }
0x85: {  	_ =	shalt  }
0x86: {  	_ =	shalt  }
0x87: {  	_ =	shalt  }
.Lfunc_end0:
.L_simem_size_0:
called_computation_lowered:
.L_overlay_start_0:
0x88: {  	s2 =	sld [smem:$0x3FD9]  }
0x89: {  	s3 =	sld [smem:$0x3FFE];
	_ =	sdelay $0x1  }
0x8a: {  	s1 =	srdreg.scid  }
0x8b: {  	s0 =	sand.u32 $0x1, s1  }
0x8c: {  	s17 =	sshll.u32 s0, $0xA;
	s2 =	sadd.s32 s3, s2  }
0x8d: {  	s2 =	sadd.s32 s2, s17  }
0x8e: {  	[smem:$0x3FC5] =	sst s2  }
0x8f: {  	_ = 	snop  }
0x90: {  	s2 =	sld [smem:$0x3FC8]  }
0x91: {  	s18 =	sld [smem:$0x3FD0];
	(tm) =	ssettm $0x1  }
0x92: {  	s4 =	sld [smem:$0x3FFB];
	_ =	sdelay $0x3  }
0x93: {  	_ =	strace s4  }
0x94: {  	s4 =	sld [smem:$0x3FFC];
	_ =	sdelay $0x3  }
0x95: {  	_ =	strace s4  }
0x96: {  	s4 =	sld [smem:$0x3FFD];
	_ =	sdelay $0x3  }
0x97: {  	_ =	strace s4  }
0x98: {  	_ =	strace $0x8FFFFFFF  }
0x99: {  	s19 =	sld [smem:$0x3FDB];
	_ =	sdelay $0x1  }
0x9a: {  	s5 =	simm.s32 $_scs_section_size  }
0x9b: {  	s6 =	simm.s32 $_size__tile_overlayer_lowered;
	s7 =	simm.s32 $_tile_overlayer_lowered  }
0x9c: {  	s22 =	simm.s32 $0x1BFF;
	s21 =	sshll.u32 s7, $0x1;
	s4 =	sadd.s32 s5, s19  }
0x9d: {  	s8 =	simm.s32 $0x0;
	s20 =	sshll.u32 s6, $0x1;
	s6 =	sadd.s32 s21, s4  }
0x9e: {  	[timem:s8], [sflag:s22] =	dma.local [hbm:s6], s20  }
0x9f: {  	_ =	swait.ge [sflag:s22], s20  }
0xa0: {  	s5 =	ssub.s32 $0x0, s20;
	[sflag:s22] =	ssyncset.done $0x0  }
0xa1: {  	[sflag:s22] =	ssyncadd.s32 s5;
	_ =	sdelay $0x1  }
0xa2: {  	s23 =	simm.s32 $0x1B8B  }
0xa3: {  	_ =	swait.ge [sflag:s23], $0x1  }
0xa4: {  	[sflag:s23] =	ssyncset.done $0x0  }
0xa5: {  	s25 =	simm.s32 $0x1B8E;
	s24 =	sld [smem:$0x3FFE];
	[sflag:s23] =	ssyncadd.s32 $0xFFFFFFFF  }
0xa6: {  	s26 =	simm.s32 $execute0_lowered;
	[smem:$0x3FD2] =	sst s25  }
0xa7: {  	s6 =	sshll.u32 s26, $0x1;
	_ =	strace $0x80000046;
	[dreg:$0x1] =	wrdreg $0xFFFFFFFF  }
0xa8: {  	s28 =	simm.s32 $_size_execute0_lowered;
	s4 =	sadd.s32 s4, s6;
	[dreg:$0x0] =	wrdreg $0x0  }
0xa9: {  	s6 =	sshll.u32 s28, $0x1;
	[dreg:$0x2] =	wrdreg s4  }
0xaa: {  	[dreg:$0x3] =	wrdreg s6  }
0xab: {  	[dreg:$0x4] =	wrdreg $0xC0  }
0xac: {  	_ =	task [dreg:s8], $0x5FFFF  }
0xad: {  	[dreg:$0x1] =	wrdreg $0xFFFFFFFF  }
0xae: {  	[dreg:$0x0] =	wrdreg $0x60  }
0xaf: {  	[dreg:$0x2] =	wrdreg s2  }
0xb0: {  	[dreg:$0x3] =	wrdreg s18  }
0xb1: {  	[dreg:$0x4] =	wrdreg s24  }
0xb2: {  	[dreg:$0x5] =	wrdreg $0x9  }
0xb3: {  	_ =	task.clear_ibuf [dreg:s8], $0x6FFFF;
	_ =	strace $0x90000046  }
0xb4: {  	s29 =	simm.s32 $0x9;
	_ =	strace $0x80000048  }
0xb5: {  	_ =	swait.ge [sflag:s29], $0x1  }
0xb6: {  	[sflag:s29] =	ssyncadd.s32 $0xFFFFFFFF  }
0xb7: {  	_ =	strace $0x90000048  }
0xb8: {  	_ =	sfence  }
0xb9: {  	s30 =	sld [smem:$0x0];
	_ =	sdelay $0x2  }
0xba: {  	s31 =	sshll.u32 s1, $0xD;
	s1 =	sshrl.u32 s1, $0x2  }
0xbb: {  	s3 =	sand.u32 $0x4000, s31;
	s1 =	sadd.s32 s1, s30  }
0xbc: {  	s0 =	sor.u32 s3, s0;
	s1 =	sshll.u32 s1, $0x11  }
0xbd: {  	s0 =	sor.u32 s1, s0  }
0xbe: {  	s0 =	sadd.s32 $0x8F2B, s0  }
0xbf: {  	[sflag:s0] =	ssyncadd.remote.s32 $0x1  }
0xc0: {  	_ =	sfence.sel $0xFFFF  }
0xc1: {  	[dreg:$0x0] =	wrdreg $0xFFFFFFFF;
	(pc) =	sbr.abs _section_cstart, $3  }
0xc2: {  	[dreg:$0x1] =	wrdreg $0xFFFFFFFF  }
0xc3: {  	_ =	task.clear_ibuf [dreg:s8], $0x2FFFF;
	_ =	strace $0x9FFFFFFF  }
0xc4: {  	(tm) =	ssettm $0x7FFFFFFF  }
0xc5: {  	_ =	shalt  }
tec
execute0_lowered:
.L_overlay_start_1:
0x0: {  	(tag) =	ssettag $0x1  }
0x1: {  	s1 =	rddreg [dreg:$0x0]  }
0x2: {  	s2 =	srdreg.scid;
	s4 =	rddreg [dreg:$0x1]  }
0x3: {  	s0 =	stileid.u32;
	s5 =	rddreg [dreg:$0x2]  }
0x4: {  	s3 =	simm.s32 $0x0;
	s9 =	simm.s32 $0x1080;
	s10 =	simm.s32 $0x1880  }
0x5: {  	s11 =	simm.s32 $0x20;
	s12 =	simm.s32 $0x2080;
	s13 =	simm.s32 $0x2880  }
0x6: {  	s14 =	simm.s32 $0x3080;
	s15 =	simm.s32 $0x3880;
	s16 =	simm.s32 $0x4080  }
0x7: {  	s17 =	simm.s32 $0x4880;
	s18 =	simm.s32 $0x5080;
	s19 =	simm.s32 $0x5880  }
0x8: {  	s20 =	simm.s32 $0x6080;
	s21 =	simm.s32 $0x6880;
	s28 =	simm.s32 $0x4  }
0x9: {  	s29 =	simm.s32 $0x5;
	s30 =	simm.s32 $0x6;
	s31 =	simm.s32 $0x7  }
0xa: {  	s2 =	sand.u32 $0x1, s2;
	s6 =	sshll.u32 s0, $0x8;
	[smem:$0x7FF] =	sst s3  }
0xb: {  	s5 =	sadd.s32 $0x400, s5;
	s7 =	sshll.u32 s2, $0x7;
	s2 =	ssub.s32 $0x2, s2  }
0xc: {  	_ =	strace $0x80000047;
	s6 =	sor.u32 s7, s6;
	s25 =	sshrl.u32 s2, $0x1  }
0xd: {  	s7 =	sshrl.u32 s6, $0x3;
	s8 =	sor.u32 $0x20, s6;
	s6 =	sshll.u32 s6, $0x5  }
0xe: {  	s2 =	ssub.s32 s2, s25;
	s25 =	simm.s32 $0x2;
	s7 =	sadd.s32 s4, s7  }
0xf: {  	s22 =	sshrl.u32 s8, $0x3;
	s23 =	sshll.u32 s8, $0x5;
	s8 =	simm.s32 $0x880  }
0x10: {  	[dreg:$0x4] =	wrdreg s7;
	s4 =	sadd.s32 s4, s22;
	s7 =	simm.s32 $0x80  }
0x11: {  	s22 =	simm.s32 $0x7080;
	[dreg:$0x5] =	wrdreg s4;
	s4 =	sadd.s32 s5, s6  }
0x12: {  	s5 =	sadd.s32 s5, s23;
	s6 =	simm.s32 $0x9;
	s23 =	simm.s32 $0x7880  }
0x13: {  	v2 =	vlaneseq.u32;
	[dreg:$0x6] =	wrdreg s5;
	s24 =	sadd.s32 $0x800, s4;
	s26 =	sadd.s32 $0xC00, s4  }
0x14: {  	vm0 =	vmmov $0xffff;
	v1 =	vshrl.u32 v2, $0x3;
	s5 =	smax.u32 s2, $0x1;
	s2 =	simm.s32 $0x8;
	[dreg:$0x7] =	wrdreg s24  }
0x15: {  	v0 =	vand.u32 $0x7, v2;
	v2 =	vor.u32 $0x8, v2;
	v1 =	vmul.u32 $0x8, v1;
	[dreg:$0x8] =	wrdreg s26;
	s24 =	simm.s32 $0x1;
	s26 =	simm.s32 $0x3  }
.LBB2_1:
0x16: {  	s0 =	rddreg [dreg:$0x4]  }
0x17: {  	[tilespmem:s3], [sflag:$0x9] =	stream.linear.gather [hbm4b:s0+s3], $0x20, $0x38;
	[tilespmem:$0x8080] =	vst v63  }
0x18: {  	_ =	swait.ge [sflag:s6], $0x20  }
0x19: {  	[sflag:s6] =	ssyncset.done $0x0  }
0x1a: {  	[sflag:s6] =	ssyncadd.s32 $0xFFFFFFE0  }
0x1b: {  	v3 =	vld [tilespmem:$0x0];
	_ =	sdelay $0x4  }
0x1c: {  	v4 =	vshll.u32 v3, $0x1  }
0x1d: {  	v3 =	vand.u32 $0x7, v3;
	v4 =	vand.u32 $0xFFFFFFF0, v4  }
0x1e: {  	v3 =	vor.u32 v3, v4  }
0x1f: {  	v4 =	vperm.xlane v3, v0;
	_ =	sdelay $0x1  }
0x20: {  	v3 =	vperm.xlane v3, v2;
	v4 =	vadd.s32 v1, v4;
	_ =	sdelay $0x1  }
0x21: {  	v3 =	vadd.s32 v1, v3;
	_ =	sdelay $0x2  }
0x22: {  	[tilespmem:s7], [sflag:$0x1] =	stream.indirect_vreg.gather [hbm4b:s1+s3], $0x80, v4, vm0, $0xb8;
	[tilespmem:$0x8080] =	vst v63  }
0x23: {  	_ = 	snop  }
0x24: {  	[tilespmem:s8], [sflag:$0x1] =	stream.indirect_vreg.gather [hbm4b:s1+s3], $0x80, v3, vm0, $0xb8;
	[tilespmem:$0x8080] =	vst v63  }
0x25: {  	v3 =	vld [tilespmem:$0x10];
	_ =	sdelay $0x4  }
0x26: {  	v57 =	vshll.u32 v3, $0x1  }
0x27: {  	v3 =	vand.u32 $0x7, v3;
	v4 =	vand.u32 $0xFFFFFFF0, v57  }
0x28: {  	v3 =	vor.u32 v3, v4  }
0x29: {  	v4 =	vperm.xlane v3, v0;
	_ =	sdelay $0x1  }
0x2a: {  	v3 =	vperm.xlane v3, v2;
	v4 =	vadd.s32 v1, v4;
	_ =	sdelay $0x1  }
0x2b: {  	v3 =	vadd.s32 v1, v3;
	_ =	sdelay $0x2  }
0x2c: {  	[tilespmem:s9], [sflag:$0x1] =	stream.indirect_vreg.gather [hbm4b:s1+s3], $0x80, v4, vm0, $0xb8;
	[tilespmem:$0x8080] =	vst v63  }
0x2d: {  	_ = 	snop  }
0x2e: {  	[tilespmem:s10], [sflag:$0x1] =	stream.indirect_vreg.gather [hbm4b:s1+s3], $0x80, v3, vm0, $0xb8;
	[tilespmem:$0x8080] =	vst v63  }
0x2f: {  	s0 =	rddreg [dreg:$0x5]  }
0x30: {  	[tilespmem:s11], [sflag:$0x9] =	stream.linear.gather [hbm4b:s0+s3], $0x60, $0x38;
	[tilespmem:$0x8080] =	vst v63  }
0x31: {  	_ =	swait.ge [sflag:s6], $0x60  }
0x32: {  	[sflag:s6] =	ssyncset.done $0x0  }
0x33: {  	[sflag:s6] =	ssyncadd.s32 $0xFFFFFFA0  }
0x34: {  	v3 =	vld [tilespmem:$0x20];
	_ =	sdelay $0x4  }
0x35: {  	v58 =	vshll.u32 v3, $0x1  }
0x36: {  	v3 =	vand.u32 $0x7, v3;
	v4 =	vand.u32 $0xFFFFFFF0, v58  }
0x37: {  	v3 =	vor.u32 v3, v4  }
0x38: {  	v4 =	vperm.xlane v3, v0;
	_ =	sdelay $0x1  }
0x39: {  	v3 =	vperm.xlane v3, v2;
	v4 =	vadd.s32 v1, v4;
	_ =	sdelay $0x1  }
0x3a: {  	v3 =	vadd.s32 v1, v3;
	_ =	sdelay $0x2  }
0x3b: {  	[tilespmem:s12], [sflag:$0x2] =	stream.indirect_vreg.gather [hbm4b:s1+s3], $0x80, v4, vm0, $0xb8;
	[tilespmem:$0x8080] =	vst v63  }
0x3c: {  	_ = 	snop  }
0x3d: {  	[tilespmem:s13], [sflag:$0x2] =	stream.indirect_vreg.gather [hbm4b:s1+s3], $0x80, v3, vm0, $0xb8;
	[tilespmem:$0x8080] =	vst v63  }
0x3e: {  	v3 =	vld [tilespmem:$0x30];
	_ =	sdelay $0x4  }
0x3f: {  	v59 =	vshll.u32 v3, $0x1  }
0x40: {  	v3 =	vand.u32 $0x7, v3;
	v4 =	vand.u32 $0xFFFFFFF0, v59  }
0x41: {  	v3 =	vor.u32 v3, v4  }
0x42: {  	v4 =	vperm.xlane v3, v0;
	_ =	sdelay $0x1  }
0x43: {  	v3 =	vperm.xlane v3, v2;
	v4 =	vadd.s32 v1, v4;
	_ =	sdelay $0x1  }
0x44: {  	v3 =	vadd.s32 v1, v3;
	_ =	sdelay $0x2  }
0x45: {  	[tilespmem:s14], [sflag:$0x2] =	stream.indirect_vreg.gather [hbm4b:s1+s3], $0x80, v4, vm0, $0xb8;
	[tilespmem:$0x8080] =	vst v63  }
0x46: {  	_ = 	snop  }
0x47: {  	[tilespmem:s15], [sflag:$0x2] =	stream.indirect_vreg.gather [hbm4b:s1+s3], $0x80, v3, vm0, $0xb8;
	[tilespmem:$0x8080] =	vst v63  }
0x48: {  	v3 =	vld [tilespmem:$0x40];
	_ =	sdelay $0x4  }
0x49: {  	v60 =	vshll.u32 v3, $0x1  }
0x4a: {  	v3 =	vand.u32 $0x7, v3;
	v4 =	vand.u32 $0xFFFFFFF0, v60  }
0x4b: {  	v3 =	vor.u32 v3, v4  }
0x4c: {  	v4 =	vperm.xlane v3, v0;
	_ =	sdelay $0x1  }
0x4d: {  	v3 =	vperm.xlane v3, v2;
	v4 =	vadd.s32 v1, v4;
	_ =	sdelay $0x1  }
0x4e: {  	v3 =	vadd.s32 v1, v3;
	_ =	sdelay $0x2  }
0x4f: {  	[tilespmem:s16], [sflag:$0x3] =	stream.indirect_vreg.gather [hbm4b:s1+s3], $0x80, v4, vm0, $0xb8;
	[tilespmem:$0x8080] =	vst v63  }
0x50: {  	_ = 	snop  }
0x51: {  	[tilespmem:s17], [sflag:$0x3] =	stream.indirect_vreg.gather [hbm4b:s1+s3], $0x80, v3, vm0, $0xb8;
	[tilespmem:$0x8080] =	vst v63  }
0x52: {  	v3 =	vld [tilespmem:$0x50];
	_ =	sdelay $0x4  }
0x53: {  	v61 =	vshll.u32 v3, $0x1  }
0x54: {  	v3 =	vand.u32 $0x7, v3;
	v4 =	vand.u32 $0xFFFFFFF0, v61  }
0x55: {  	v3 =	vor.u32 v3, v4  }
0x56: {  	v4 =	vperm.xlane v3, v0;
	_ =	sdelay $0x1  }
0x57: {  	v3 =	vperm.xlane v3, v2;
	v4 =	vadd.s32 v1, v4;
	_ =	sdelay $0x1  }
0x58: {  	v3 =	vadd.s32 v1, v3;
	_ =	sdelay $0x2  }
0x59: {  	[tilespmem:s18], [sflag:$0x3] =	stream.indirect_vreg.gather [hbm4b:s1+s3], $0x80, v4, vm0, $0xb8;
	[tilespmem:$0x8080] =	vst v63  }
0x5a: {  	_ = 	snop  }
0x5b: {  	[tilespmem:s19], [sflag:$0x3] =	stream.indirect_vreg.gather [hbm4b:s1+s3], $0x80, v3, vm0, $0xb8;
	[tilespmem:$0x8080] =	vst v63  }
0x5c: {  	v3 =	vld [tilespmem:$0x60];
	_ =	sdelay $0x4  }
0x5d: {  	v62 =	vshll.u32 v3, $0x1  }
0x5e: {  	v3 =	vand.u32 $0x7, v3;
	v4 =	vand.u32 $0xFFFFFFF0, v62  }
0x5f: {  	v3 =	vor.u32 v3, v4  }
0x60: {  	v4 =	vperm.xlane v3, v0;
	_ =	sdelay $0x1  }
0x61: {  	v3 =	vperm.xlane v3, v2;
	v4 =	vadd.s32 v1, v4;
	_ =	sdelay $0x1  }
0x62: {  	v3 =	vadd.s32 v1, v3;
	_ =	sdelay $0x2  }
0x63: {  	[tilespmem:s20], [sflag:$0x4] =	stream.indirect_vreg.gather [hbm4b:s1+s3], $0x80, v4, vm0, $0xb8;
	[tilespmem:$0x8080] =	vst v63  }
0x64: {  	_ = 	snop  }
0x65: {  	[tilespmem:s21], [sflag:$0x4] =	stream.indirect_vreg.gather [hbm4b:s1+s3], $0x80, v3, vm0, $0xb8;
	[tilespmem:$0x8080] =	vst v63  }
0x66: {  	v3 =	vld [tilespmem:$0x70];
	_ =	sdelay $0x4  }
0x67: {  	v63 =	vshll.u32 v3, $0x1  }
0x68: {  	v3 =	vand.u32 $0x7, v3;
	v4 =	vand.u32 $0xFFFFFFF0, v63  }
0x69: {  	v3 =	vor.u32 v3, v4  }
0x6a: {  	v4 =	vperm.xlane v3, v0;
	_ =	sdelay $0x1  }
0x6b: {  	v3 =	vperm.xlane v3, v2;
	v4 =	vadd.s32 v1, v4;
	_ =	sdelay $0x1  }
0x6c: {  	v3 =	vadd.s32 v1, v3;
	_ =	sdelay $0x2  }
0x6d: {  	[tilespmem:s22], [sflag:$0x4] =	stream.indirect_vreg.gather [hbm4b:s1+s3], $0x80, v4, vm0, $0xb8;
	[tilespmem:$0x8080] =	vst v63  }
0x6e: {  	_ = 	snop  }
0x6f: {  	[tilespmem:s23], [sflag:$0x4] =	stream.indirect_vreg.gather [hbm4b:s1+s3], $0x80, v3, vm0, $0xb8;
	[tilespmem:$0x8080] =	vst v63  }
0x70: {  	_ =	swait.ge [sflag:s24], $0x2000  }
0x71: {  	[sflag:s24] =	ssyncset.done $0x0  }
0x72: {  	[sflag:s24] =	ssyncadd.s32 $0xFFFFE000  }
0x73: {  	[hbm4b:s4+s3] =	stream.linear.scatter [tilespmem:s7], [sflag:$0x5], $0x2000, $0x38;
	[tilespmem:$0x8080] =	vst v63  }
0x74: {  	_ =	swait.ge [sflag:s25], $0x2000  }
0x75: {  	[sflag:s25] =	ssyncset.done $0x0  }
0x76: {  	s0 =	rddreg [dreg:$0x6];
	[sflag:s25] =	ssyncadd.s32 $0xFFFFE000  }
0x77: {  	[hbm4b:s0+s3] =	stream.linear.scatter [tilespmem:s12], [sflag:$0x6], $0x2000, $0x38;
	[tilespmem:$0x8080] =	vst v63  }
0x78: {  	_ =	swait.ge [sflag:s26], $0x2000  }
0x79: {  	[sflag:s26] =	ssyncset.done $0x0  }
0x7a: {  	s0 =	rddreg [dreg:$0x7];
	[sflag:s26] =	ssyncadd.s32 $0xFFFFE000  }
0x7b: {  	[hbm4b:s0+s3] =	stream.linear.scatter [tilespmem:s16], [sflag:$0x7], $0x2000, $0x38;
	[tilespmem:$0x8080] =	vst v63  }
0x7c: {  	_ =	swait.ge [sflag:s28], $0x2000  }
0x7d: {  	[sflag:s28] =	ssyncset.done $0x0  }
0x7e: {  	s0 =	rddreg [dreg:$0x8];
	[sflag:s28] =	ssyncadd.s32 $0xFFFFE000  }
0x7f: {  	[hbm4b:s0+s3] =	stream.linear.scatter [tilespmem:s20], [sflag:$0x8], $0x2000, $0x38;
	[tilespmem:$0x8080] =	vst v63  }
0x80: {  	_ =	swait.ge [sflag:s29], $0x2000  }
0x81: {  	[sflag:s29] =	ssyncset.done $0x0  }
0x82: {  	[sflag:s29] =	ssyncadd.s32 $0xFFFFE000  }
0x83: {  	_ =	swait.ge [sflag:s30], $0x2000  }
0x84: {  	[sflag:s30] =	ssyncset.done $0x0  }
0x85: {  	[sflag:s30] =	ssyncadd.s32 $0xFFFFE000  }
0x86: {  	p0 =	sne.s32 s5, $0x1;
	_ =	swait.ge [sflag:s31], $0x2000  }
.Ltmp0:
0x87: {  	[sflag:s31] =	ssyncset.done $0x0;
	(pc) =	sbr.rel @p0 .LBB2_1-.Ltmp0, $4  }
0x88: {  	[sflag:s31] =	ssyncadd.s32 $0xFFFFE000  }
0x89: {  	_ =	swait.ge [sflag:s2], $0x2000  }
0x8a: {  	[sflag:s2] =	ssyncset.done $0x0  }
0x8b: {  	s5 =	sadd.s32 $0xFFFFFFFF, s5;
	[sflag:s2] =	ssyncadd.s32 $0xFFFFE000  }
0x8c: {  	_ =	sfence.sel $0x180000  }
0x8d: {  	[bflag:$0x0] =	sbarrier.arrive $0xFFFF  }
0x8e: {  	_ =	strace $0x90000047  }
0x8f: {  	s0 =	stileid.u32;
	[bflag:$0x2] =	sbarrier.arrive $0xFFFF  }
0x90: {  	p0 =	sne.s32 s0, $0x0;
	s0 =	rddreg [dreg:$0x3]  }
0x91: {  	s0 =	sadd.s32 @!p0 $0x100000, s0  }
0x92: {  	[sflag:s0] =	ssyncadd.tile.s32 @!p0 $0x1;
	_ =	shalt  }
.Lfunc_end2:
_tile_overlayer_lowered:
.L_overlay_start_2:
0x93: {  	(tag) =	ssettag $0x2  }
0x94: {  	s0 =	rddreg [dreg:$0x0];
	s2 =	stileid.u32  }
0x95: {  	s1 =	rddreg [dreg:$0x1];
	p0 =	sne.s32 s2, $0x0  }
0x96: {  	s3 =	rddreg [dreg:$0x2];
	[bflag:$0x3] =	sbarrier.arrive $0xFFFF;
	s2 =	simm.s32 @!p0 $0x1C09  }
0x97: {  	[timem:s3], [sflag:s2] =	dma.local @!p0 [hbm:s0], s1  }
0x98: {  	s0 =	simm.s32 @!p0 $0x9  }
0x99: {  	_ =	swait.ge @!p0 [sflag:s0], s1  }
0x9a: {  	s1 =	ssub.s32 @!p0 $0x0, s1;
	[sflag:s0] =	ssyncset.done @!p0 $0x0  }
0x9b: {  	[sflag:s0] =	ssyncadd.s32 @!p0 s1  }
0x9c: {  	[bflag:$0x3] =	sbarrier.arrive $0xFFFF  }
0x9d: {  	_ =	shalt  }

</sc_bundles>
